<compile_context>
chip_gen: v7x
topology: tpu7x:2x2x1
jax: 0.10.2.dev20260603
libtpu: 0.0.44.dev20260713+nightly
codegen_flags: <defaults>
</compile_context>

<pallas_src>
import jax
import jax.numpy as jnp
from jax import lax
from jax.experimental import pallas as pl
from jax.experimental.pallas import tpu as pltpu
from jax.experimental.pallas import tpu_sc as plsc

_B, _T = 16, 576
_ROWS = _B * _T
_K = 1024
_D = 64
_BT = 2
_TILE = _BT * _T
_KC = 128
_NC, _NS = 2, 16
_NW = _NC * _NS
_BPW = _ROWS // _NW
_CHUNK = 96
_NCHUNK = _BPW // _CHUNK


def _argmin_group(x, em2_ref, rowf):
    xsq = x * x
    rowsq = lax.dot_general(jnp.ones((1, _D), jnp.float32), xsq,
                            (((1,), (1,)), ((), ())),
                            preferred_element_type=jnp.float32)
    run_min = None
    for c in range(_K // _KC):
        sl = pl.ds(c * _KC, _KC)
        em2c = em2_ref[sl, :]
        s = lax.dot_general(em2c, x, (((1,), (1,)), ((), ())),
                            preferred_element_type=jnp.float32)
        e2c = lax.dot_general(em2c * em2c, jnp.ones((1, _D), jnp.float32),
                              (((1,), (1,)), ((), ())),
                              preferred_element_type=jnp.float32) * 0.25
        d2 = (rowsq + s) + e2c
        cmin = jnp.min(d2, axis=0, keepdims=True)
        row = rowf + float(c * _KC)
        cidx = jnp.min(jnp.where(d2 == cmin, row, float(_K)), axis=0,
                       keepdims=True)
        if run_min is None:
            run_min, run_idx = cmin, cidx
        else:
            better = cmin < run_min
            run_min = jnp.where(better, cmin, run_min)
            run_idx = jnp.where(better, cidx, run_idx)
    return run_idx


def _argmin_body(x_ref, em2_ref, idx_ref):
    rowf = lax.broadcasted_iota(jnp.int32, (_KC, _TILE), 0).astype(jnp.float32)

    def group(g, _):
        x = x_ref[pl.ds(g * _BT, _BT)].reshape(_TILE, _D)
        run_idx = _argmin_group(x, em2_ref, rowf)
        off = pl.multiple_of(g * _TILE, _TILE)
        idx_ref[pl.ds(off, _TILE)] = run_idx.reshape(_TILE).astype(jnp.int32)
        return 0

    lax.fori_loop(0, _B // _BT, group, 0)


def _nearest_indices(encoded, em2):
    return pl.pallas_call(
        _argmin_body,
        in_specs=[
            pl.BlockSpec((_B, _T, _D), lambda: (0, 0, 0)),
            pl.BlockSpec((_K, _D), lambda: (0, 0)),
        ],
        out_specs=pl.BlockSpec((_ROWS,), lambda: (0,)),
        out_shape=jax.ShapeDtypeStruct((_ROWS,), jnp.int32),
    )(encoded, em2)


def _gather_body(table_hbm, idx_hbm, out_hbm, idx_v, rows_v, sem):
    wid = lax.axis_index("s") * _NC + lax.axis_index("c")
    base = wid * _BPW
    pltpu.sync_copy(idx_hbm.at[pl.ds(base, _BPW)], idx_v)
    copies = [
        pltpu.async_copy(
            table_hbm.at[idx_v.at[pl.ds(c * _CHUNK, _CHUNK)]],
            rows_v.at[pl.ds(c * _CHUNK, _CHUNK)],
            sem,
        )
        for c in range(_NCHUNK)
    ]
    for cp in copies:
        cp.wait()
    b = wid // 2
    h = wid % 2
    pltpu.sync_copy(rows_v, out_hbm.at[b, pl.ds(h * _BPW, _BPW)])


def _gather_rows(embedding, idx):
    return pl.kernel(
        _gather_body,
        out_type=jax.ShapeDtypeStruct((_B, _T, _D), jnp.float32),
        mesh=plsc.VectorSubcoreMesh(core_axis_name="c", subcore_axis_name="s"),
        compiler_params=pltpu.CompilerParams(use_tc_tiling_on_sc=False),
        scratch_types=[
            pltpu.VMEM((_BPW,), jnp.int32),
            pltpu.VMEM((_BPW, _D), jnp.float32),
            pltpu.SemaphoreType.DMA,
        ],
    )(embedding, idx)


def kernel(encoded, embedding):
    em2 = embedding * -2.0
    idx = _nearest_indices(encoded, em2)
    return _gather_rows(embedding, idx)

# --- scband reference (transcript-rebuilt; emitter-appended) ---
"""Pipeline reference for scband-quantizer-49314814492727 (READ-ONLY COPY).

The authoritative reference and input builder live on the scoring server;
editing this copy changes nothing except your own understanding.
"""

import jax, jax.numpy as jnp
import numpy as np


def setup_inputs(seed: int = 0) -> dict:
    key = jax.random.key(seed)
    k1, k2 = jax.random.split(key)
    encoded = jax.random.normal(k1, (16, 576, 64), dtype=jnp.float32)
    # nn.Parameter(torch.rand(num_classes, dimensions)) -> uniform [0, 1)
    embedding = jax.random.uniform(k2, (1024, 64), dtype=jnp.float32)
    return {"encoded": encoded, "embedding": embedding}


def reference(encoded, embedding):
    bsz, T, dims = encoded.shape
    flat = encoded.reshape(bsz * T, dims)
    # (chunk - embedding).norm(dim=1) per chunk; argmin over codebook.
    # Computed via expanded squared-distance (same argmin as the L2 norm).
    d2 = (
        jnp.sum(flat * flat, axis=1, keepdims=True)
        - 2.0 * flat @ embedding.T
        + jnp.sum(embedding * embedding, axis=1)[None, :]
    )
    index_batch = jnp.argmin(d2, axis=1)
    quantized_values = jnp.take(embedding, index_batch, axis=0)
    # straight_through.forward is the identity
    activated_values = quantized_values
    return activated_values.reshape(bsz, T, dims)

if __name__ == "__main__":
    import jax
    _d = setup_inputs()
    print(jax.jit(kernel)(*tuple(_d.values())))

</pallas_src>

<mosaic_0001>
#map = affine_map<(d0, d1) -> (0, 0)>
#map1 = affine_map<(d0, d1) -> (0)>
#map2 = affine_map<(d0, d1) -> (0, 0, 0)>
module attributes {stable_mosaic.version = 14 : i64} {
  func.func @_gather_body(%arg0: i32, %arg1: i32, %arg2: memref<1024x64xf32, #tpu.memory_space<hbm>>, %arg3: memref<9216xi32, #tpu.memory_space<hbm>>, %arg4: memref<16x576x64xf32, #tpu.memory_space<hbm>>, %arg5: memref<288xi32, #tpu.memory_space<vmem>>, %arg6: memref<288x64xf32, #tpu.memory_space<vmem>>, %arg7: memref<!tpu.dma_semaphore, #tpu.memory_space<semaphore_mem>>) attributes {dimension_semantics = [#tpu.dimension_semantics<core_parallel>, #tpu.dimension_semantics<subcore_parallel>], iteration_bounds = array<i64: 2, 16>, scalar_prefetch = 0 : i64, scratch_operands = 3 : i64, tpu.core_type = #tpu.core_type<sc_vector_subcore>, window_params = [{transform_indices = #map}, {transform_indices = #map1}, {transform_indices = #map2}]} {
    %mul3A = arith.constant 2 : i32
    %mul3A_0 = arith.muli %arg1, %mul3A : i32
    %add3A = arith.addi %mul3A_0, %arg0 : i32
    %mul3A_1 = arith.constant 288 : i32
    %mul3A_2 = arith.muli %add3A, %mul3A_1 : i32
    "tpu.region"() ({
      %run_scoped3A = tpu.sem_alloc : memref<!tpu.dma_semaphore, #tpu.memory_space<semaphore_mem>>
      %dma_start3A_81 = tpu.memref_slice %arg3[%mul3A_2] : memref<9216xi32, #tpu.memory_space<hbm>> -> memref<288xi32, #tpu.memory_space<hbm>>
      %dma_start3A_82 = tpu.memref_slice %arg3[%mul3A_2] : memref<9216xi32, #tpu.memory_space<hbm>> -> memref<288xi32, #tpu.memory_space<hbm>>
      tpu.enqueue_dma source(%dma_start3A_82 : memref<288xi32, #tpu.memory_space<hbm>>) target(%arg5 : memref<288xi32, #tpu.memory_space<vmem>>) target_semaphore(%run_scoped3A : memref<!tpu.dma_semaphore, #tpu.memory_space<semaphore_mem>>)
      %dma_wait3A_83 = tpu.memref_slice %arg3[%mul3A_2] : memref<9216xi32, #tpu.memory_space<hbm>> -> memref<288xi32, #tpu.memory_space<hbm>>
      %dma_wait3A_84 = tpu.memref_slice %arg3[%mul3A_2] : memref<9216xi32, #tpu.memory_space<hbm>> -> memref<288xi32, #tpu.memory_space<hbm>>
      tpu.wait_dma2 semaphore(%run_scoped3A : memref<!tpu.dma_semaphore, #tpu.memory_space<semaphore_mem>>) src(%dma_wait3A_84 : memref<288xi32, #tpu.memory_space<hbm>>) dst(%arg5 : memref<288xi32, #tpu.memory_space<vmem>>)
      tpu.yield
    }) : () -> ()
    %dma_start3A = arith.constant 0 : i32
    %dma_start3A_3 = arith.constant 0 : i32
    %dma_start3A_4 = tpu.memref_slice %arg6[%dma_start3A, %dma_start3A_3] : memref<288x64xf32, #tpu.memory_space<vmem>> -> memref<96x64xf32, #tpu.memory_space<vmem>>
    %dma_start3A_5 = arith.constant 0 : i32
    %dma_start3A_6 = tpu.memref_slice %arg5[%dma_start3A_5] : memref<288xi32, #tpu.memory_space<vmem>> -> memref<96xi32, #tpu.memory_space<vmem>>
    %dma_start3A_7 = arith.constant 0 : i32
    %dma_start3A_8 = arith.constant 0 : i32
    %dma_start3A_9 = tpu.memref_slice %arg2[%dma_start3A_7, %dma_start3A_8] : memref<1024x64xf32, #tpu.memory_space<hbm>> -> memref<1024x64xf32, #tpu.memory_space<hbm>>
    tpu.enqueue_indirect_dma source(%dma_start3A_9 : memref<1024x64xf32, #tpu.memory_space<hbm>>) target(%dma_start3A_4 : memref<96x64xf32, #tpu.memory_space<vmem>>) offsets(%dma_start3A_6 : memref<96xi32, #tpu.memory_space<vmem>>) semaphore(%arg7 : memref<!tpu.dma_semaphore, #tpu.memory_space<semaphore_mem>>)
    %dma_start3A_10 = arith.constant 96 : i32
    %dma_start3A_11 = arith.constant 0 : i32
    %dma_start3A_12 = tpu.memref_slice %arg6[%dma_start3A_10, %dma_start3A_11] : memref<288x64xf32, #tpu.memory_space<vmem>> -> memref<96x64xf32, #tpu.memory_space<vmem>>
    %dma_start3A_13 = arith.constant 96 : i32
    %dma_start3A_14 = tpu.memref_slice %arg5[%dma_start3A_13] : memref<288xi32, #tpu.memory_space<vmem>> -> memref<96xi32, #tpu.memory_space<vmem>>
    %dma_start3A_15 = arith.constant 0 : i32
    %dma_start3A_16 = arith.constant 0 : i32
    %dma_start3A_17 = tpu.memref_slice %arg2[%dma_start3A_15, %dma_start3A_16] : memref<1024x64xf32, #tpu.memory_space<hbm>> -> memref<1024x64xf32, #tpu.memory_space<hbm>>
    tpu.enqueue_indirect_dma source(%dma_start3A_17 : memref<1024x64xf32, #tpu.memory_space<hbm>>) target(%dma_start3A_12 : memref<96x64xf32, #tpu.memory_space<vmem>>) offsets(%dma_start3A_14 : memref<96xi32, #tpu.memory_space<vmem>>) semaphore(%arg7 : memref<!tpu.dma_semaphore, #tpu.memory_space<semaphore_mem>>)
    %dma_start3A_18 = arith.constant 192 : i32
    %dma_start3A_19 = arith.constant 0 : i32
    %dma_start3A_20 = tpu.memref_slice %arg6[%dma_start3A_18, %dma_start3A_19] : memref<288x64xf32, #tpu.memory_space<vmem>> -> memref<96x64xf32, #tpu.memory_space<vmem>>
    %dma_start3A_21 = arith.constant 192 : i32
    %dma_start3A_22 = tpu.memref_slice %arg5[%dma_start3A_21] : memref<288xi32, #tpu.memory_space<vmem>> -> memref<96xi32, #tpu.memory_space<vmem>>
    %dma_start3A_23 = arith.constant 0 : i32
    %dma_start3A_24 = arith.constant 0 : i32
    %dma_start3A_25 = tpu.memref_slice %arg2[%dma_start3A_23, %dma_start3A_24] : memref<1024x64xf32, #tpu.memory_space<hbm>> -> memref<1024x64xf32, #tpu.memory_space<hbm>>
    tpu.enqueue_indirect_dma source(%dma_start3A_25 : memref<1024x64xf32, #tpu.memory_space<hbm>>) target(%dma_start3A_20 : memref<96x64xf32, #tpu.memory_space<vmem>>) offsets(%dma_start3A_22 : memref<96xi32, #tpu.memory_space<vmem>>) semaphore(%arg7 : memref<!tpu.dma_semaphore, #tpu.memory_space<semaphore_mem>>)
    %dma_wait3A = arith.constant 0 : i32
    %dma_wait3A_26 = arith.constant 0 : i32
    %dma_wait3A_27 = tpu.memref_slice %arg6[%dma_wait3A, %dma_wait3A_26] : memref<288x64xf32, #tpu.memory_space<vmem>> -> memref<96x64xf32, #tpu.memory_space<vmem>>
    %dma_wait3A_28 = arith.constant 0 : i32
    %dma_wait3A_29 = tpu.memref_slice %arg5[%dma_wait3A_28] : memref<288xi32, #tpu.memory_space<vmem>> -> memref<96xi32, #tpu.memory_space<vmem>>
    %dma_wait3A_30 = arith.constant 0 : i32
    %dma_wait3A_31 = arith.constant 0 : i32
    %dma_wait3A_32 = tpu.memref_slice %arg2[%dma_wait3A_30, %dma_wait3A_31] : memref<1024x64xf32, #tpu.memory_space<hbm>> -> memref<1024x64xf32, #tpu.memory_space<hbm>>
    tpu.wait_indirect_dma semaphore(%arg7 : memref<!tpu.dma_semaphore, #tpu.memory_space<semaphore_mem>>) src(%dma_wait3A_32 : memref<1024x64xf32, #tpu.memory_space<hbm>>) dst(%dma_wait3A_27 : memref<96x64xf32, #tpu.memory_space<vmem>>)
    %dma_wait3A_33 = arith.constant 96 : i32
    %dma_wait3A_34 = arith.constant 0 : i32
    %dma_wait3A_35 = tpu.memref_slice %arg6[%dma_wait3A_33, %dma_wait3A_34] : memref<288x64xf32, #tpu.memory_space<vmem>> -> memref<96x64xf32, #tpu.memory_space<vmem>>
    %dma_wait3A_36 = arith.constant 96 : i32
    %dma_wait3A_37 = tpu.memref_slice %arg5[%dma_wait3A_36] : memref<288xi32, #tpu.memory_space<vmem>> -> memref<96xi32, #tpu.memory_space<vmem>>
    %dma_wait3A_38 = arith.constant 0 : i32
    %dma_wait3A_39 = arith.constant 0 : i32
    %dma_wait3A_40 = tpu.memref_slice %arg2[%dma_wait3A_38, %dma_wait3A_39] : memref<1024x64xf32, #tpu.memory_space<hbm>> -> memref<1024x64xf32, #tpu.memory_space<hbm>>
    tpu.wait_indirect_dma semaphore(%arg7 : memref<!tpu.dma_semaphore, #tpu.memory_space<semaphore_mem>>) src(%dma_wait3A_40 : memref<1024x64xf32, #tpu.memory_space<hbm>>) dst(%dma_wait3A_35 : memref<96x64xf32, #tpu.memory_space<vmem>>)
    %dma_wait3A_41 = arith.constant 192 : i32
    %dma_wait3A_42 = arith.constant 0 : i32
    %dma_wait3A_43 = tpu.memref_slice %arg6[%dma_wait3A_41, %dma_wait3A_42] : memref<288x64xf32, #tpu.memory_space<vmem>> -> memref<96x64xf32, #tpu.memory_space<vmem>>
    %dma_wait3A_44 = arith.constant 192 : i32
    %dma_wait3A_45 = tpu.memref_slice %arg5[%dma_wait3A_44] : memref<288xi32, #tpu.memory_space<vmem>> -> memref<96xi32, #tpu.memory_space<vmem>>
    %dma_wait3A_46 = arith.constant 0 : i32
    %dma_wait3A_47 = arith.constant 0 : i32
    %dma_wait3A_48 = tpu.memref_slice %arg2[%dma_wait3A_46, %dma_wait3A_47] : memref<1024x64xf32, #tpu.memory_space<hbm>> -> memref<1024x64xf32, #tpu.memory_space<hbm>>
    tpu.wait_indirect_dma semaphore(%arg7 : memref<!tpu.dma_semaphore, #tpu.memory_space<semaphore_mem>>) src(%dma_wait3A_48 : memref<1024x64xf32, #tpu.memory_space<hbm>>) dst(%dma_wait3A_43 : memref<96x64xf32, #tpu.memory_space<vmem>>)
    %jit3A = arith.constant 2 : i32
    %div3A = arith.divsi %add3A, %jit3A : i32
    %sign3A = arith.constant 0 : i32
    %sign3A_49 = arith.cmpi sgt, %add3A, %sign3A : i32
    %sign3A_50 = arith.extui %sign3A_49 : i1 to i32
    %sign3A_51 = arith.constant 0 : i32
    %sign3A_52 = arith.cmpi slt, %add3A, %sign3A_51 : i32
    %sign3A_53 = arith.extui %sign3A_52 : i1 to i32
    %sign3A_54 = arith.subi %sign3A_50, %sign3A_53 : i32
    %sign3A_55 = arith.constant 0 : i32
    %sign3A_56 = arith.cmpi sgt, %jit3A, %sign3A_55 : i32
    %sign3A_57 = arith.extui %sign3A_56 : i1 to i32
    %sign3A_58 = arith.constant 0 : i32
    %sign3A_59 = arith.cmpi slt, %jit3A, %sign3A_58 : i32
    %sign3A_60 = arith.extui %sign3A_59 : i1 to i32
    %sign3A_61 = arith.subi %sign3A_57, %sign3A_60 : i32
    %ne3A = arith.cmpi ne, %sign3A_54, %sign3A_61 : i32
    %rem3A = arith.remsi %add3A, %jit3A : i32
    %ne3A_62 = arith.constant 0 : i32
    %ne3A_63 = arith.cmpi ne, %rem3A, %ne3A_62 : i32
    %and3A = arith.andi %ne3A, %ne3A_63 : i1
    %sub3A = arith.constant 1 : i32
    %sub3A_64 = arith.subi %div3A, %sub3A : i32
    %select_n3A = arith.select %and3A, %sub3A_64, %div3A : i32
    %jit3A_65 = arith.constant 2 : i32
    %eq3A = arith.constant 0 : i32
    %eq3A_66 = arith.cmpi eq, %jit3A_65, %eq3A : i32
    %jit3A_67 = arith.constant 1 : i32
    %select_n3A_68 = arith.select %eq3A_66, %jit3A_67, %jit3A_65 : i32
    %rem3A_69 = arith.remsi %add3A, %select_n3A_68 : i32
    %ne3A_70 = arith.constant 0 : i32
    %ne3A_71 = arith.cmpi ne, %rem3A_69, %ne3A_70 : i32
    %lt3A = arith.constant 0 : i32
    %lt3A_72 = arith.cmpi slt, %rem3A_69, %lt3A : i32
    %lt3A_73 = arith.constant 0 : i32
    %lt3A_74 = arith.cmpi slt, %select_n3A_68, %lt3A_73 : i32
    %ne3A_75 = arith.xori %lt3A_72, %lt3A_74 : i1
    %and3A_76 = arith.andi %ne3A_75, %ne3A_71 : i1
    %add3A_77 = arith.addi %rem3A_69, %select_n3A_68 : i32
    %select_n3A_78 = arith.select %and3A_76, %add3A_77, %rem3A_69 : i32
    %mul3A_79 = arith.constant 288 : i32
    %mul3A_80 = arith.muli %select_n3A_78, %mul3A_79 : i32
    "tpu.region"() ({
      %run_scoped3A = tpu.sem_alloc : memref<!tpu.dma_semaphore, #tpu.memory_space<semaphore_mem>>
      %dma_start3A_81 = arith.constant 0 : i32
      %dma_start3A_82 = tpu.memref_slice %arg4[%select_n3A, %mul3A_80, %dma_start3A_81] : memref<16x576x64xf32, #tpu.memory_space<hbm>> -> memref<1x288x64xf32, #tpu.memory_space<hbm>>
      %dma_start3A_83 = tpu.memref_squeeze %dma_start3A_82 : memref<1x288x64xf32, #tpu.memory_space<hbm>> -> memref<288x64xf32, #tpu.memory_space<hbm>>
      %dma_start3A_84 = arith.constant 0 : i32
      %dma_start3A_85 = tpu.memref_slice %arg4[%select_n3A, %mul3A_80, %dma_start3A_84] : memref<16x576x64xf32, #tpu.memory_space<hbm>> -> memref<1x288x64xf32, #tpu.memory_space<hbm>>
      %dma_start3A_86 = tpu.memref_squeeze %dma_start3A_85 : memref<1x288x64xf32, #tpu.memory_space<hbm>> -> memref<288x64xf32, #tpu.memory_space<hbm>>
      tpu.enqueue_dma source(%arg6 : memref<288x64xf32, #tpu.memory_space<vmem>>) target(%dma_start3A_86 : memref<288x64xf32, #tpu.memory_space<hbm>>) target_semaphore(%run_scoped3A : memref<!tpu.dma_semaphore, #tpu.memory_space<semaphore_mem>>)
      %dma_wait3A_87 = arith.constant 0 : i32
      %dma_wait3A_88 = tpu.memref_slice %arg4[%select_n3A, %mul3A_80, %dma_wait3A_87] : memref<16x576x64xf32, #tpu.memory_space<hbm>> -> memref<1x288x64xf32, #tpu.memory_space<hbm>>
      %dma_wait3A_89 = tpu.memref_squeeze %dma_wait3A_88 : memref<1x288x64xf32, #tpu.memory_space<hbm>> -> memref<288x64xf32, #tpu.memory_space<hbm>>
      %dma_wait3A_90 = arith.constant 0 : i32
      %dma_wait3A_91 = tpu.memref_slice %arg4[%select_n3A, %mul3A_80, %dma_wait3A_90] : memref<16x576x64xf32, #tpu.memory_space<hbm>> -> memref<1x288x64xf32, #tpu.memory_space<hbm>>
      %dma_wait3A_92 = tpu.memref_squeeze %dma_wait3A_91 : memref<1x288x64xf32, #tpu.memory_space<hbm>> -> memref<288x64xf32, #tpu.memory_space<hbm>>
      tpu.wait_dma2 semaphore(%run_scoped3A : memref<!tpu.dma_semaphore, #tpu.memory_space<semaphore_mem>>) src(%arg6 : memref<288x64xf32, #tpu.memory_space<vmem>>) dst(%dma_wait3A_92 : memref<288x64xf32, #tpu.memory_space<hbm>>)
      tpu.yield
    }) : () -> ()
    return
  }
}

module attributes {stable_mosaic.version = 14 : i64} {
  func.func @_argmin_body(%arg0: memref<16x576x64xf32, #tpu.memory_space<vmem>>, %arg1: memref<1024x64xf32, #tpu.memory_space<vmem>>, %arg2: memref<9216xi32, #tpu.memory_space<vmem>>) attributes {dimension_semantics = [], scalar_prefetch = 0 : i64, scratch_operands = 0 : i64, tpu.core_type = #tpu.core_type<tc>} {
    %iota3A = tpu.iota {dimensions = array<i32: 0>} : vector<128x1152xi32>
    %convert_element_type3A = arith.sitofp %iota3A : vector<128x1152xi32> to vector<128x1152xf32>
    %scan3A = arith.constant 0 : i32
    %scan3A_0 = arith.constant 8 : i32
    %scan3A_1 = arith.addi %scan3A, %scan3A_0 : i32
    %scan3A_2 = arith.constant 1 : i32
    scf.for %scan3A_4 = %scan3A to %scan3A_1 step %scan3A_2  : i32 {
      %mul3A = arith.constant 2 : i32
      %mul3A_5 = arith.muli %scan3A_4, %mul3A : i32
      %get3A = arith.index_cast %mul3A_5 : i32 to index
      %get3A_6 = arith.constant 0 : index
      %get3A_7 = arith.constant 0 : index
      %get3A_8 = vector.load %arg0[%get3A, %get3A_6, %get3A_7] : memref<16x576x64xf32, #tpu.memory_space<vmem>>, vector<2x576x64xf32>
      %reshape3A = vector.shape_cast %get3A_8 : vector<2x576x64xf32> to vector<1152x64xf32>
      %mul3A_9 = arith.mulf %reshape3A, %reshape3A : vector<1152x64xf32>
      %broadcast_in_dim3A = arith.constant 1.000000e+00 : f32
      %broadcast_in_dim3A_10 = vector.broadcast %broadcast_in_dim3A : f32 to vector<1x64xf32>
      %dot_general3A = arith.constant dense<0.000000e+00> : vector<1x1152xf32>
      %dot_general3A_11 = tpu.matmul %broadcast_in_dim3A_10, %mul3A_9, %dot_general3A {dimension_numbers = #tpu.dot_dimension_numbers<[1], [1], [0], [0], [0, 0, 1, 0], [], []>, transpose_lhs_hint = false} : vector<1x64xf32>, vector<1152x64xf32>, vector<1x1152xf32> -> vector<1x1152xf32>
      %get3A_12 = arith.constant 0 : index
      %get3A_13 = arith.constant 0 : index
      %get3A_14 = vector.load %arg1[%get3A_12, %get3A_13] : memref<1024x64xf32, #tpu.memory_space<vmem>>, vector<128x64xf32>
      %dot_general3A_15 = arith.constant dense<0.000000e+00> : vector<128x1152xf32>
      %dot_general3A_16 = tpu.matmul %get3A_14, %reshape3A, %dot_general3A_15 {dimension_numbers = #tpu.dot_dimension_numbers<[1], [1], [0], [0], [0, 0, 1, 0], [], []>, transpose_lhs_hint = false} : vector<128x64xf32>, vector<1152x64xf32>, vector<128x1152xf32> -> vector<128x1152xf32>
      %mul3A_17 = arith.mulf %get3A_14, %get3A_14 : vector<128x64xf32>
      %broadcast_in_dim3A_18 = arith.constant 1.000000e+00 : f32
      %broadcast_in_dim3A_19 = vector.broadcast %broadcast_in_dim3A_18 : f32 to vector<1x64xf32>
      %dot_general3A_20 = arith.constant dense<0.000000e+00> : vector<128x1xf32>
      %dot_general3A_21 = tpu.matmul %mul3A_17, %broadcast_in_dim3A_19, %dot_general3A_20 {dimension_numbers = #tpu.dot_dimension_numbers<[1], [1], [0], [0], [0, 0, 1, 0], [], []>, transpose_lhs_hint = false} : vector<128x64xf32>, vector<1x64xf32>, vector<128x1xf32> -> vector<128x1xf32>
      %mul3A_22 = arith.constant 2.500000e-01 : f32
      %mul3A_23 = vector.broadcast %mul3A_22 : f32 to vector<128x1xf32>
      %mul3A_24 = arith.mulf %dot_general3A_21, %mul3A_23 : vector<128x1xf32>
      %add3A = vector.broadcast %dot_general3A_11 : vector<1x1152xf32> to vector<128x1152xf32>
      %add3A_25 = arith.addf %add3A, %dot_general3A_16 : vector<128x1152xf32>
      %add3A_26 = vector.broadcast %mul3A_24 : vector<128x1xf32> to vector<128x1152xf32>
      %add3A_27 = arith.addf %add3A_25, %add3A_26 : vector<128x1152xf32>
      %reduce_min3A = arith.constant dense<0x7F800000> : vector<1152xf32>
      %reduce_min3A_28 = vector.multi_reduction <minimumf>, %add3A_27, %reduce_min3A [0] : vector<128x1152xf32> to vector<1152xf32>
      %broadcast_in_dim3A_29 = vector.shape_cast %reduce_min3A_28 : vector<1152xf32> to vector<1x1152xf32>
      %add3A_30 = arith.constant 0.000000e+00 : f32
      %add3A_31 = vector.broadcast %add3A_30 : f32 to vector<128x1152xf32>
      %add3A_32 = arith.addf %convert_element_type3A, %add3A_31 : vector<128x1152xf32>
      %eq3A = vector.broadcast %broadcast_in_dim3A_29 : vector<1x1152xf32> to vector<128x1152xf32>
      %eq3A_33 = arith.cmpf oeq, %add3A_27, %eq3A : vector<128x1152xf32>
      %jit3A = arith.constant 1.024000e+03 : f32
      %broadcast_in_dim3A_34 = vector.broadcast %jit3A : f32 to vector<128x1152xf32>
      %select_n3A = arith.select %eq3A_33, %add3A_32, %broadcast_in_dim3A_34 : vector<128x1152xi1>, vector<128x1152xf32>
      %reduce_min3A_35 = arith.constant dense<0x7F800000> : vector<1152xf32>
      %reduce_min3A_36 = vector.multi_reduction <minimumf>, %select_n3A, %reduce_min3A_35 [0] : vector<128x1152xf32> to vector<1152xf32>
      %broadcast_in_dim3A_37 = vector.shape_cast %reduce_min3A_36 : vector<1152xf32> to vector<1x1152xf32>
      %get3A_38 = arith.constant 128 : index
      %get3A_39 = arith.constant 0 : index
      %get3A_40 = vector.load %arg1[%get3A_38, %get3A_39] : memref<1024x64xf32, #tpu.memory_space<vmem>>, vector<128x64xf32>
      %dot_general3A_41 = arith.constant dense<0.000000e+00> : vector<128x1152xf32>
      %dot_general3A_42 = tpu.matmul %get3A_40, %reshape3A, %dot_general3A_41 {dimension_numbers = #tpu.dot_dimension_numbers<[1], [1], [0], [0], [0, 0, 1, 0], [], []>, transpose_lhs_hint = false} : vector<128x64xf32>, vector<1152x64xf32>, vector<128x1152xf32> -> vector<128x1152xf32>
      %mul3A_43 = arith.mulf %get3A_40, %get3A_40 : vector<128x64xf32>
      %broadcast_in_dim3A_44 = arith.constant 1.000000e+00 : f32
      %broadcast_in_dim3A_45 = vector.broadcast %broadcast_in_dim3A_44 : f32 to vector<1x64xf32>
      %dot_general3A_46 = arith.constant dense<0.000000e+00> : vector<128x1xf32>
      %dot_general3A_47 = tpu.matmul %mul3A_43, %broadcast_in_dim3A_45, %dot_general3A_46 {dimension_numbers = #tpu.dot_dimension_numbers<[1], [1], [0], [0], [0, 0, 1, 0], [], []>, transpose_lhs_hint = false} : vector<128x64xf32>, vector<1x64xf32>, vector<128x1xf32> -> vector<128x1xf32>
      %mul3A_48 = arith.constant 2.500000e-01 : f32
      %mul3A_49 = vector.broadcast %mul3A_48 : f32 to vector<128x1xf32>
      %mul3A_50 = arith.mulf %dot_general3A_47, %mul3A_49 : vector<128x1xf32>
      %add3A_51 = vector.broadcast %dot_general3A_11 : vector<1x1152xf32> to vector<128x1152xf32>
      %add3A_52 = arith.addf %add3A_51, %dot_general3A_42 : vector<128x1152xf32>
      %add3A_53 = vector.broadcast %mul3A_50 : vector<128x1xf32> to vector<128x1152xf32>
      %add3A_54 = arith.addf %add3A_52, %add3A_53 : vector<128x1152xf32>
      %reduce_min3A_55 = arith.constant dense<0x7F800000> : vector<1152xf32>
      %reduce_min3A_56 = vector.multi_reduction <minimumf>, %add3A_54, %reduce_min3A_55 [0] : vector<128x1152xf32> to vector<1152xf32>
      %broadcast_in_dim3A_57 = vector.shape_cast %reduce_min3A_56 : vector<1152xf32> to vector<1x1152xf32>
      %add3A_58 = arith.constant 1.280000e+02 : f32
      %add3A_59 = vector.broadcast %add3A_58 : f32 to vector<128x1152xf32>
      %add3A_60 = arith.addf %convert_element_type3A, %add3A_59 : vector<128x1152xf32>
      %eq3A_61 = vector.broadcast %broadcast_in_dim3A_57 : vector<1x1152xf32> to vector<128x1152xf32>
      %eq3A_62 = arith.cmpf oeq, %add3A_54, %eq3A_61 : vector<128x1152xf32>
      %jit3A_63 = arith.constant 1.024000e+03 : f32
      %broadcast_in_dim3A_64 = vector.broadcast %jit3A_63 : f32 to vector<128x1152xf32>
      %select_n3A_65 = arith.select %eq3A_62, %add3A_60, %broadcast_in_dim3A_64 : vector<128x1152xi1>, vector<128x1152xf32>
      %reduce_min3A_66 = arith.constant dense<0x7F800000> : vector<1152xf32>
      %reduce_min3A_67 = vector.multi_reduction <minimumf>, %select_n3A_65, %reduce_min3A_66 [0] : vector<128x1152xf32> to vector<1152xf32>
      %broadcast_in_dim3A_68 = vector.shape_cast %reduce_min3A_67 : vector<1152xf32> to vector<1x1152xf32>
      %lt3A = arith.cmpf olt, %broadcast_in_dim3A_57, %broadcast_in_dim3A_29 : vector<1x1152xf32>
      %select_n3A_69 = arith.select %lt3A, %broadcast_in_dim3A_57, %broadcast_in_dim3A_29 : vector<1x1152xi1>, vector<1x1152xf32>
      %select_n3A_70 = arith.select %lt3A, %broadcast_in_dim3A_68, %broadcast_in_dim3A_37 : vector<1x1152xi1>, vector<1x1152xf32>
      %get3A_71 = arith.constant 256 : index
      %get3A_72 = arith.constant 0 : index
      %get3A_73 = vector.load %arg1[%get3A_71, %get3A_72] : memref<1024x64xf32, #tpu.memory_space<vmem>>, vector<128x64xf32>
      %dot_general3A_74 = arith.constant dense<0.000000e+00> : vector<128x1152xf32>
      %dot_general3A_75 = tpu.matmul %get3A_73, %reshape3A, %dot_general3A_74 {dimension_numbers = #tpu.dot_dimension_numbers<[1], [1], [0], [0], [0, 0, 1, 0], [], []>, transpose_lhs_hint = false} : vector<128x64xf32>, vector<1152x64xf32>, vector<128x1152xf32> -> vector<128x1152xf32>
      %mul3A_76 = arith.mulf %get3A_73, %get3A_73 : vector<128x64xf32>
      %broadcast_in_dim3A_77 = arith.constant 1.000000e+00 : f32
      %broadcast_in_dim3A_78 = vector.broadcast %broadcast_in_dim3A_77 : f32 to vector<1x64xf32>
      %dot_general3A_79 = arith.constant dense<0.000000e+00> : vector<128x1xf32>
      %dot_general3A_80 = tpu.matmul %mul3A_76, %broadcast_in_dim3A_78, %dot_general3A_79 {dimension_numbers = #tpu.dot_dimension_numbers<[1], [1], [0], [0], [0, 0, 1, 0], [], []>, transpose_lhs_hint = false} : vector<128x64xf32>, vector<1x64xf32>, vector<128x1xf32> -> vector<128x1xf32>
      %mul3A_81 = arith.constant 2.500000e-01 : f32
      %mul3A_82 = vector.broadcast %mul3A_81 : f32 to vector<128x1xf32>
      %mul3A_83 = arith.mulf %dot_general3A_80, %mul3A_82 : vector<128x1xf32>
      %add3A_84 = vector.broadcast %dot_general3A_11 : vector<1x1152xf32> to vector<128x1152xf32>
      %add3A_85 = arith.addf %add3A_84, %dot_general3A_75 : vector<128x1152xf32>
      %add3A_86 = vector.broadcast %mul3A_83 : vector<128x1xf32> to vector<128x1152xf32>
      %add3A_87 = arith.addf %add3A_85, %add3A_86 : vector<128x1152xf32>
      %reduce_min3A_88 = arith.constant dense<0x7F800000> : vector<1152xf32>
      %reduce_min3A_89 = vector.multi_reduction <minimumf>, %add3A_87, %reduce_min3A_88 [0] : vector<128x1152xf32> to vector<1152xf32>
      %broadcast_in_dim3A_90 = vector.shape_cast %reduce_min3A_89 : vector<1152xf32> to vector<1x1152xf32>
      %add3A_91 = arith.constant 2.560000e+02 : f32
      %add3A_92 = vector.broadcast %add3A_91 : f32 to vector<128x1152xf32>
      %add3A_93 = arith.addf %convert_element_type3A, %add3A_92 : vector<128x1152xf32>
      %eq3A_94 = vector.broadcast %broadcast_in_dim3A_90 : vector<1x1152xf32> to vector<128x1152xf32>
      %eq3A_95 = arith.cmpf oeq, %add3A_87, %eq3A_94 : vector<128x1152xf32>
      %jit3A_96 = arith.constant 1.024000e+03 : f32
      %broadcast_in_dim3A_97 = vector.broadcast %jit3A_96 : f32 to vector<128x1152xf32>
      %select_n3A_98 = arith.select %eq3A_95, %add3A_93, %broadcast_in_dim3A_97 : vector<128x1152xi1>, vector<128x1152xf32>
      %reduce_min3A_99 = arith.constant dense<0x7F800000> : vector<1152xf32>
      %reduce_min3A_100 = vector.multi_reduction <minimumf>, %select_n3A_98, %reduce_min3A_99 [0] : vector<128x1152xf32> to vector<1152xf32>
      %broadcast_in_dim3A_101 = vector.shape_cast %reduce_min3A_100 : vector<1152xf32> to vector<1x1152xf32>
      %lt3A_102 = arith.cmpf olt, %broadcast_in_dim3A_90, %select_n3A_69 : vector<1x1152xf32>
      %select_n3A_103 = arith.select %lt3A_102, %broadcast_in_dim3A_90, %select_n3A_69 : vector<1x1152xi1>, vector<1x1152xf32>
      %select_n3A_104 = arith.select %lt3A_102, %broadcast_in_dim3A_101, %select_n3A_70 : vector<1x1152xi1>, vector<1x1152xf32>
      %get3A_105 = arith.constant 384 : index
      %get3A_106 = arith.constant 0 : index
      %get3A_107 = vector.load %arg1[%get3A_105, %get3A_106] : memref<1024x64xf32, #tpu.memory_space<vmem>>, vector<128x64xf32>
      %dot_general3A_108 = arith.constant dense<0.000000e+00> : vector<128x1152xf32>
      %dot_general3A_109 = tpu.matmul %get3A_107, %reshape3A, %dot_general3A_108 {dimension_numbers = #tpu.dot_dimension_numbers<[1], [1], [0], [0], [0, 0, 1, 0], [], []>, transpose_lhs_hint = false} : vector<128x64xf32>, vector<1152x64xf32>, vector<128x1152xf32> -> vector<128x1152xf32>
      %mul3A_110 = arith.mulf %get3A_107, %get3A_107 : vector<128x64xf32>
      %broadcast_in_dim3A_111 = arith.constant 1.000000e+00 : f32
      %broadcast_in_dim3A_112 = vector.broadcast %broadcast_in_dim3A_111 : f32 to vector<1x64xf32>
      %dot_general3A_113 = arith.constant dense<0.000000e+00> : vector<128x1xf32>
      %dot_general3A_114 = tpu.matmul %mul3A_110, %broadcast_in_dim3A_112, %dot_general3A_113 {dimension_numbers = #tpu.dot_dimension_numbers<[1], [1], [0], [0], [0, 0, 1, 0], [], []>, transpose_lhs_hint = false} : vector<128x64xf32>, vector<1x64xf32>, vector<128x1xf32> -> vector<128x1xf32>
      %mul3A_115 = arith.constant 2.500000e-01 : f32
      %mul3A_116 = vector.broadcast %mul3A_115 : f32 to vector<128x1xf32>
      %mul3A_117 = arith.mulf %dot_general3A_114, %mul3A_116 : vector<128x1xf32>
      %add3A_118 = vector.broadcast %dot_general3A_11 : vector<1x1152xf32> to vector<128x1152xf32>
      %add3A_119 = arith.addf %add3A_118, %dot_general3A_109 : vector<128x1152xf32>
      %add3A_120 = vector.broadcast %mul3A_117 : vector<128x1xf32> to vector<128x1152xf32>
      %add3A_121 = arith.addf %add3A_119, %add3A_120 : vector<128x1152xf32>
      %reduce_min3A_122 = arith.constant dense<0x7F800000> : vector<1152xf32>
      %reduce_min3A_123 = vector.multi_reduction <minimumf>, %add3A_121, %reduce_min3A_122 [0] : vector<128x1152xf32> to vector<1152xf32>
      %broadcast_in_dim3A_124 = vector.shape_cast %reduce_min3A_123 : vector<1152xf32> to vector<1x1152xf32>
      %add3A_125 = arith.constant 3.840000e+02 : f32
      %add3A_126 = vector.broadcast %add3A_125 : f32 to vector<128x1152xf32>
      %add3A_127 = arith.addf %convert_element_type3A, %add3A_126 : vector<128x1152xf32>
      %eq3A_128 = vector.broadcast %broadcast_in_dim3A_124 : vector<1x1152xf32> to vector<128x1152xf32>
      %eq3A_129 = arith.cmpf oeq, %add3A_121, %eq3A_128 : vector<128x1152xf32>
      %jit3A_130 = arith.constant 1.024000e+03 : f32
      %broadcast_in_dim3A_131 = vector.broadcast %jit3A_130 : f32 to vector<128x1152xf32>
      %select_n3A_132 = arith.select %eq3A_129, %add3A_127, %broadcast_in_dim3A_131 : vector<128x1152xi1>, vector<128x1152xf32>
      %reduce_min3A_133 = arith.constant dense<0x7F800000> : vector<1152xf32>
      %reduce_min3A_134 = vector.multi_reduction <minimumf>, %select_n3A_132, %reduce_min3A_133 [0] : vector<128x1152xf32> to vector<1152xf32>
      %broadcast_in_dim3A_135 = vector.shape_cast %reduce_min3A_134 : vector<1152xf32> to vector<1x1152xf32>
      %lt3A_136 = arith.cmpf olt, %broadcast_in_dim3A_124, %select_n3A_103 : vector<1x1152xf32>
      %select_n3A_137 = arith.select %lt3A_136, %broadcast_in_dim3A_124, %select_n3A_103 : vector<1x1152xi1>, vector<1x1152xf32>
      %select_n3A_138 = arith.select %lt3A_136, %broadcast_in_dim3A_135, %select_n3A_104 : vector<1x1152xi1>, vector<1x1152xf32>
      %get3A_139 = arith.constant 512 : index
      %get3A_140 = arith.constant 0 : index
      %get3A_141 = vector.load %arg1[%get3A_139, %get3A_140] : memref<1024x64xf32, #tpu.memory_space<vmem>>, vector<128x64xf32>
      %dot_general3A_142 = arith.constant dense<0.000000e+00> : vector<128x1152xf32>
      %dot_general3A_143 = tpu.matmul %get3A_141, %reshape3A, %dot_general3A_142 {dimension_numbers = #tpu.dot_dimension_numbers<[1], [1], [0], [0], [0, 0, 1, 0], [], []>, transpose_lhs_hint = false} : vector<128x64xf32>, vector<1152x64xf32>, vector<128x1152xf32> -> vector<128x1152xf32>
      %mul3A_144 = arith.mulf %get3A_141, %get3A_141 : vector<128x64xf32>
      %broadcast_in_dim3A_145 = arith.constant 1.000000e+00 : f32
      %broadcast_in_dim3A_146 = vector.broadcast %broadcast_in_dim3A_145 : f32 to vector<1x64xf32>
      %dot_general3A_147 = arith.constant dense<0.000000e+00> : vector<128x1xf32>
      %dot_general3A_148 = tpu.matmul %mul3A_144, %broadcast_in_dim3A_146, %dot_general3A_147 {dimension_numbers = #tpu.dot_dimension_numbers<[1], [1], [0], [0], [0, 0, 1, 0], [], []>, transpose_lhs_hint = false} : vector<128x64xf32>, vector<1x64xf32>, vector<128x1xf32> -> vector<128x1xf32>
      %mul3A_149 = arith.constant 2.500000e-01 : f32
      %mul3A_150 = vector.broadcast %mul3A_149 : f32 to vector<128x1xf32>
      %mul3A_151 = arith.mulf %dot_general3A_148, %mul3A_150 : vector<128x1xf32>
      %add3A_152 = vector.broadcast %dot_general3A_11 : vector<1x1152xf32> to vector<128x1152xf32>
      %add3A_153 = arith.addf %add3A_152, %dot_general3A_143 : vector<128x1152xf32>
      %add3A_154 = vector.broadcast %mul3A_151 : vector<128x1xf32> to vector<128x1152xf32>
      %add3A_155 = arith.addf %add3A_153, %add3A_154 : vector<128x1152xf32>
      %reduce_min3A_156 = arith.constant dense<0x7F800000> : vector<1152xf32>
      %reduce_min3A_157 = vector.multi_reduction <minimumf>, %add3A_155, %reduce_min3A_156 [0] : vector<128x1152xf32> to vector<1152xf32>
      %broadcast_in_dim3A_158 = vector.shape_cast %reduce_min3A_157 : vector<1152xf32> to vector<1x1152xf32>
      %add3A_159 = arith.constant 5.120000e+02 : f32
      %add3A_160 = vector.broadcast %add3A_159 : f32 to vector<128x1152xf32>
      %add3A_161 = arith.addf %convert_element_type3A, %add3A_160 : vector<128x1152xf32>
      %eq3A_162 = vector.broadcast %broadcast_in_dim3A_158 : vector<1x1152xf32> to vector<128x1152xf32>
      %eq3A_163 = arith.cmpf oeq, %add3A_155, %eq3A_162 : vector<128x1152xf32>
      %jit3A_164 = arith.constant 1.024000e+03 : f32
      %broadcast_in_dim3A_165 = vector.broadcast %jit3A_164 : f32 to vector<128x1152xf32>
      %select_n3A_166 = arith.select %eq3A_163, %add3A_161, %broadcast_in_dim3A_165 : vector<128x1152xi1>, vector<128x1152xf32>
      %reduce_min3A_167 = arith.constant dense<0x7F800000> : vector<1152xf32>
      %reduce_min3A_168 = vector.multi_reduction <minimumf>, %select_n3A_166, %reduce_min3A_167 [0] : vector<128x1152xf32> to vector<1152xf32>
      %broadcast_in_dim3A_169 = vector.shape_cast %reduce_min3A_168 : vector<1152xf32> to vector<1x1152xf32>
      %lt3A_170 = arith.cmpf olt, %broadcast_in_dim3A_158, %select_n3A_137 : vector<1x1152xf32>
      %select_n3A_171 = arith.select %lt3A_170, %broadcast_in_dim3A_158, %select_n3A_137 : vector<1x1152xi1>, vector<1x1152xf32>
      %select_n3A_172 = arith.select %lt3A_170, %broadcast_in_dim3A_169, %select_n3A_138 : vector<1x1152xi1>, vector<1x1152xf32>
      %get3A_173 = arith.constant 640 : index
      %get3A_174 = arith.constant 0 : index
      %get3A_175 = vector.load %arg1[%get3A_173, %get3A_174] : memref<1024x64xf32, #tpu.memory_space<vmem>>, vector<128x64xf32>
      %dot_general3A_176 = arith.constant dense<0.000000e+00> : vector<128x1152xf32>
      %dot_general3A_177 = tpu.matmul %get3A_175, %reshape3A, %dot_general3A_176 {dimension_numbers = #tpu.dot_dimension_numbers<[1], [1], [0], [0], [0, 0, 1, 0], [], []>, transpose_lhs_hint = false} : vector<128x64xf32>, vector<1152x64xf32>, vector<128x1152xf32> -> vector<128x1152xf32>
      %mul3A_178 = arith.mulf %get3A_175, %get3A_175 : vector<128x64xf32>
      %broadcast_in_dim3A_179 = arith.constant 1.000000e+00 : f32
      %broadcast_in_dim3A_180 = vector.broadcast %broadcast_in_dim3A_179 : f32 to vector<1x64xf32>
      %dot_general3A_181 = arith.constant dense<0.000000e+00> : vector<128x1xf32>
      %dot_general3A_182 = tpu.matmul %mul3A_178, %broadcast_in_dim3A_180, %dot_general3A_181 {dimension_numbers = #tpu.dot_dimension_numbers<[1], [1], [0], [0], [0, 0, 1, 0], [], []>, transpose_lhs_hint = false} : vector<128x64xf32>, vector<1x64xf32>, vector<128x1xf32> -> vector<128x1xf32>
      %mul3A_183 = arith.constant 2.500000e-01 : f32
      %mul3A_184 = vector.broadcast %mul3A_183 : f32 to vector<128x1xf32>
      %mul3A_185 = arith.mulf %dot_general3A_182, %mul3A_184 : vector<128x1xf32>
      %add3A_186 = vector.broadcast %dot_general3A_11 : vector<1x1152xf32> to vector<128x1152xf32>
      %add3A_187 = arith.addf %add3A_186, %dot_general3A_177 : vector<128x1152xf32>
      %add3A_188 = vector.broadcast %mul3A_185 : vector<128x1xf32> to vector<128x1152xf32>
      %add3A_189 = arith.addf %add3A_187, %add3A_188 : vector<128x1152xf32>
      %reduce_min3A_190 = arith.constant dense<0x7F800000> : vector<1152xf32>
      %reduce_min3A_191 = vector.multi_reduction <minimumf>, %add3A_189, %reduce_min3A_190 [0] : vector<128x1152xf32> to vector<1152xf32>
      %broadcast_in_dim3A_192 = vector.shape_cast %reduce_min3A_191 : vector<1152xf32> to vector<1x1152xf32>
      %add3A_193 = arith.constant 6.400000e+02 : f32
      %add3A_194 = vector.broadcast %add3A_193 : f32 to vector<128x1152xf32>
      %add3A_195 = arith.addf %convert_element_type3A, %add3A_194 : vector<128x1152xf32>
      %eq3A_196 = vector.broadcast %broadcast_in_dim3A_192 : vector<1x1152xf32> to vector<128x1152xf32>
      %eq3A_197 = arith.cmpf oeq, %add3A_189, %eq3A_196 : vector<128x1152xf32>
      %jit3A_198 = arith.constant 1.024000e+03 : f32
      %broadcast_in_dim3A_199 = vector.broadcast %jit3A_198 : f32 to vector<128x1152xf32>
      %select_n3A_200 = arith.select %eq3A_197, %add3A_195, %broadcast_in_dim3A_199 : vector<128x1152xi1>, vector<128x1152xf32>
      %reduce_min3A_201 = arith.constant dense<0x7F800000> : vector<1152xf32>
      %reduce_min3A_202 = vector.multi_reduction <minimumf>, %select_n3A_200, %reduce_min3A_201 [0] : vector<128x1152xf32> to vector<1152xf32>
      %broadcast_in_dim3A_203 = vector.shape_cast %reduce_min3A_202 : vector<1152xf32> to vector<1x1152xf32>
      %lt3A_204 = arith.cmpf olt, %broadcast_in_dim3A_192, %select_n3A_171 : vector<1x1152xf32>
      %select_n3A_205 = arith.select %lt3A_204, %broadcast_in_dim3A_192, %select_n3A_171 : vector<1x1152xi1>, vector<1x1152xf32>
      %select_n3A_206 = arith.select %lt3A_204, %broadcast_in_dim3A_203, %select_n3A_172 : vector<1x1152xi1>, vector<1x1152xf32>
      %get3A_207 = arith.constant 768 : index
      %get3A_208 = arith.constant 0 : index
      %get3A_209 = vector.load %arg1[%get3A_207, %get3A_208] : memref<1024x64xf32, #tpu.memory_space<vmem>>, vector<128x64xf32>
      %dot_general3A_210 = arith.constant dense<0.000000e+00> : vector<128x1152xf32>
      %dot_general3A_211 = tpu.matmul %get3A_209, %reshape3A, %dot_general3A_210 {dimension_numbers = #tpu.dot_dimension_numbers<[1], [1], [0], [0], [0, 0, 1, 0], [], []>, transpose_lhs_hint = false} : vector<128x64xf32>, vector<1152x64xf32>, vector<128x1152xf32> -> vector<128x1152xf32>
      %mul3A_212 = arith.mulf %get3A_209, %get3A_209 : vector<128x64xf32>
      %broadcast_in_dim3A_213 = arith.constant 1.000000e+00 : f32
      %broadcast_in_dim3A_214 = vector.broadcast %broadcast_in_dim3A_213 : f32 to vector<1x64xf32>
      %dot_general3A_215 = arith.constant dense<0.000000e+00> : vector<128x1xf32>
      %dot_general3A_216 = tpu.matmul %mul3A_212, %broadcast_in_dim3A_214, %dot_general3A_215 {dimension_numbers = #tpu.dot_dimension_numbers<[1], [1], [0], [0], [0, 0, 1, 0], [], []>, transpose_lhs_hint = false} : vector<128x64xf32>, vector<1x64xf32>, vector<128x1xf32> -> vector<128x1xf32>
      %mul3A_217 = arith.constant 2.500000e-01 : f32
      %mul3A_218 = vector.broadcast %mul3A_217 : f32 to vector<128x1xf32>
      %mul3A_219 = arith.mulf %dot_general3A_216, %mul3A_218 : vector<128x1xf32>
      %add3A_220 = vector.broadcast %dot_general3A_11 : vector<1x1152xf32> to vector<128x1152xf32>
      %add3A_221 = arith.addf %add3A_220, %dot_general3A_211 : vector<128x1152xf32>
      %add3A_222 = vector.broadcast %mul3A_219 : vector<128x1xf32> to vector<128x1152xf32>
      %add3A_223 = arith.addf %add3A_221, %add3A_222 : vector<128x1152xf32>
      %reduce_min3A_224 = arith.constant dense<0x7F800000> : vector<1152xf32>
      %reduce_min3A_225 = vector.multi_reduction <minimumf>, %add3A_223, %reduce_min3A_224 [0] : vector<128x1152xf32> to vector<1152xf32>
      %broadcast_in_dim3A_226 = vector.shape_cast %reduce_min3A_225 : vector<1152xf32> to vector<1x1152xf32>
      %add3A_227 = arith.constant 7.680000e+02 : f32
      %add3A_228 = vector.broadcast %add3A_227 : f32 to vector<128x1152xf32>
      %add3A_229 = arith.addf %convert_element_type3A, %add3A_228 : vector<128x1152xf32>
      %eq3A_230 = vector.broadcast %broadcast_in_dim3A_226 : vector<1x1152xf32> to vector<128x1152xf32>
      %eq3A_231 = arith.cmpf oeq, %add3A_223, %eq3A_230 : vector<128x1152xf32>
      %jit3A_232 = arith.constant 1.024000e+03 : f32
      %broadcast_in_dim3A_233 = vector.broadcast %jit3A_232 : f32 to vector<128x1152xf32>
      %select_n3A_234 = arith.select %eq3A_231, %add3A_229, %broadcast_in_dim3A_233 : vector<128x1152xi1>, vector<128x1152xf32>
      %reduce_min3A_235 = arith.constant dense<0x7F800000> : vector<1152xf32>
      %reduce_min3A_236 = vector.multi_reduction <minimumf>, %select_n3A_234, %reduce_min3A_235 [0] : vector<128x1152xf32> to vector<1152xf32>
      %broadcast_in_dim3A_237 = vector.shape_cast %reduce_min3A_236 : vector<1152xf32> to vector<1x1152xf32>
      %lt3A_238 = arith.cmpf olt, %broadcast_in_dim3A_226, %select_n3A_205 : vector<1x1152xf32>
      %select_n3A_239 = arith.select %lt3A_238, %broadcast_in_dim3A_226, %select_n3A_205 : vector<1x1152xi1>, vector<1x1152xf32>
      %select_n3A_240 = arith.select %lt3A_238, %broadcast_in_dim3A_237, %select_n3A_206 : vector<1x1152xi1>, vector<1x1152xf32>
      %get3A_241 = arith.constant 896 : index
      %get3A_242 = arith.constant 0 : index
      %get3A_243 = vector.load %arg1[%get3A_241, %get3A_242] : memref<1024x64xf32, #tpu.memory_space<vmem>>, vector<128x64xf32>
      %dot_general3A_244 = arith.constant dense<0.000000e+00> : vector<128x1152xf32>
      %dot_general3A_245 = tpu.matmul %get3A_243, %reshape3A, %dot_general3A_244 {dimension_numbers = #tpu.dot_dimension_numbers<[1], [1], [0], [0], [0, 0, 1, 0], [], []>, transpose_lhs_hint = false} : vector<128x64xf32>, vector<1152x64xf32>, vector<128x1152xf32> -> vector<128x1152xf32>
      %mul3A_246 = arith.mulf %get3A_243, %get3A_243 : vector<128x64xf32>
      %broadcast_in_dim3A_247 = arith.constant 1.000000e+00 : f32
      %broadcast_in_dim3A_248 = vector.broadcast %broadcast_in_dim3A_247 : f32 to vector<1x64xf32>
      %dot_general3A_249 = arith.constant dense<0.000000e+00> : vector<128x1xf32>
      %dot_general3A_250 = tpu.matmul %mul3A_246, %broadcast_in_dim3A_248, %dot_general3A_249 {dimension_numbers = #tpu.dot_dimension_numbers<[1], [1], [0], [0], [0, 0, 1, 0], [], []>, transpose_lhs_hint = false} : vector<128x64xf32>, vector<1x64xf32>, vector<128x1xf32> -> vector<128x1xf32>
      %mul3A_251 = arith.constant 2.500000e-01 : f32
      %mul3A_252 = vector.broadcast %mul3A_251 : f32 to vector<128x1xf32>
      %mul3A_253 = arith.mulf %dot_general3A_250, %mul3A_252 : vector<128x1xf32>
      %add3A_254 = vector.broadcast %dot_general3A_11 : vector<1x1152xf32> to vector<128x1152xf32>
      %add3A_255 = arith.addf %add3A_254, %dot_general3A_245 : vector<128x1152xf32>
      %add3A_256 = vector.broadcast %mul3A_253 : vector<128x1xf32> to vector<128x1152xf32>
      %add3A_257 = arith.addf %add3A_255, %add3A_256 : vector<128x1152xf32>
      %reduce_min3A_258 = arith.constant dense<0x7F800000> : vector<1152xf32>
      %reduce_min3A_259 = vector.multi_reduction <minimumf>, %add3A_257, %reduce_min3A_258 [0] : vector<128x1152xf32> to vector<1152xf32>
      %broadcast_in_dim3A_260 = vector.shape_cast %reduce_min3A_259 : vector<1152xf32> to vector<1x1152xf32>
      %add3A_261 = arith.constant 8.960000e+02 : f32
      %add3A_262 = vector.broadcast %add3A_261 : f32 to vector<128x1152xf32>
      %add3A_263 = arith.addf %convert_element_type3A, %add3A_262 : vector<128x1152xf32>
      %eq3A_264 = vector.broadcast %broadcast_in_dim3A_260 : vector<1x1152xf32> to vector<128x1152xf32>
      %eq3A_265 = arith.cmpf oeq, %add3A_257, %eq3A_264 : vector<128x1152xf32>
      %jit3A_266 = arith.constant 1.024000e+03 : f32
      %broadcast_in_dim3A_267 = vector.broadcast %jit3A_266 : f32 to vector<128x1152xf32>
      %select_n3A_268 = arith.select %eq3A_265, %add3A_263, %broadcast_in_dim3A_267 : vector<128x1152xi1>, vector<128x1152xf32>
      %reduce_min3A_269 = arith.constant dense<0x7F800000> : vector<1152xf32>
      %reduce_min3A_270 = vector.multi_reduction <minimumf>, %select_n3A_268, %reduce_min3A_269 [0] : vector<128x1152xf32> to vector<1152xf32>
      %broadcast_in_dim3A_271 = vector.shape_cast %reduce_min3A_270 : vector<1152xf32> to vector<1x1152xf32>
      %lt3A_272 = arith.cmpf olt, %broadcast_in_dim3A_260, %select_n3A_239 : vector<1x1152xf32>
      %select_n3A_273 = arith.select %lt3A_272, %broadcast_in_dim3A_271, %select_n3A_240 : vector<1x1152xi1>, vector<1x1152xf32>
      %mul3A_274 = arith.constant 1152 : i32
      %mul3A_275 = arith.muli %scan3A_4, %mul3A_274 : i32
      %multiple_of3A = tpu.assume_multiple %mul3A_275, 1152 : i32
      %reshape3A_276 = vector.shape_cast %select_n3A_273 : vector<1x1152xf32> to vector<1152xf32>
      %convert_element_type3A_277 = arith.fptosi %reshape3A_276 : vector<1152xf32> to vector<1152xi32>
      %swap3A = arith.index_cast %multiple_of3A : i32 to index
      %swap3A_278 = vector.load %arg2[%swap3A] : memref<9216xi32, #tpu.memory_space<vmem>>, vector<1152xi32>
      tpu.vector_store %arg2[%swap3A], %convert_element_type3A_277 {strides = array<i32>} : memref<9216xi32, #tpu.memory_space<vmem>>, vector<1152xi32>,
    }
    %scan3A_3 = arith.constant 8 : i32
    return
  }
}

</mosaic_0001>

<sc_bundles>
// kernel: kernel.4.cloned.1.call-start
scs
__scs_entry_jumppad:
0x0: {  	(pc) =	sbr.rel $0x88, $3  }
0x1: {  	(tag) =	ssettag $0x0;
	lr =	simm.s32 $0x1  }
0x2: {  	[smem:$0x3F9F] =	sst lr;
	_ =	strace $0xD0000000  }
0x3: {  	_ = 	snop  }
0x4: {  	_ = 	snop  }
0x5: {  	_ = 	snop  }
0x6: {  	_ = 	snop  }
0x7: {  	_ = 	snop  }
__scs_overlays_trampoline_lowered:
0x8: {  	[smem:$0x3FAE] =	sst s0  }
0x9: {  	[smem:$0x3FAF] =	sst s1  }
0xa: {  	[smem:$0x3FB0] =	sst s2  }
0xb: {  	[smem:$0x3FB1] =	sst s3  }
0xc: {  	[smem:$0x3FB2] =	sst s4  }
0xd: {  	[smem:$0x3FB3] =	sst s5  }
0xe: {  	[smem:$0x3FB4] =	sst s6  }
0xf: {  	[smem:$0x3FB5] =	sst s7  }
0x10: {  	[smem:$0x3FB6] =	sst s8  }
0x11: {  	[smem:$0x3FB7] =	sst s9;
	s0 =	simm.s32 @!p0 $0x0  }
0x12: {  	s1 =	sld [smem:$0x3F9D];
	s0 =	simm.s32 @p0 $0x1  }
0x13: {  	[smem:$0x3FB8] =	sst s0;
	s0 =	simm.s32 @!p1 $0x0  }
0x14: {  	s2 =	sld [smem:$0x3F9C];
	s0 =	simm.s32 @p1 $0x1  }
0x15: {  	[smem:$0x3FB9] =	sst s0;
	s0 =	simm.s32 @!p2 $0x0  }
0x16: {  	s3 =	sld [smem:$0x3FDB];
	s0 =	simm.s32 @p2 $0x1  }
0x17: {  	s4 =	simm.s32 $0x1BF5;
	[smem:$0x3FBB] =	sst s0  }
0x18: {  	s0 =	sld [smem:$0x3F9E];
	_ =	swait.ge [sflag:s4], $0x0  }
0x19: {  	s7 =	sld [smem:$0x3F9F]  }
0x1a: {  	s8 =	sadd.s32 $0xFFFFE003, lr  }
0x1b: {  	s9 =	sadd.s32 $0xFFFFFEF7, lr;
	s5 =	simm.s32 $0xFFFFFFFF;
	p2 =	slt.u32 s8, $0xFFFFF086  }
0x1c: {  	p1 =	slt.u32 s9, $0xF7A;
	s5 =	simm.s32 @!p2 $0x0  }
0x1d: {  	s5 =	simm.s32 @p1 $0x1;
	p0 =	seq.s32 s7, s2  }
0x1e: {  	s7 =	smul.u32 @!p0 $0xF7A, s2;
	p2 =	seq.s32 @!p0 s5, $0x0  }
0x1f: {  	s9 =	smul.u32 $0xF7A, s1;
	s8 =	simm.s32 @!p0 $0x1BF5;
	p2 =	por !p2, p0  }
0x20: {  	[sflag:s8] =	ssyncset.s32 @!p0 $0xFFFFF086;
	s6 =	sadd.s32 @!p0 s3, s7;
	s7 =	simm.s32 @!p0 $0x108  }
0x21: {  	s3 =	sadd.s32 s3, s9;
	s6 =	sadd.s32 @!p0 $0x88, s6;
	s7 =	simm.s32 @p2 $0x1082  }
0x22: {  	[simem:s7], [sflag:s8] =	dma.local @!p0 [hbm:s6], $0xF7A  }
0x23: {  	s9 =	sor.u32 $0xD0000000, s2;
	s6 =	simm.s32 $0x108;
	_ =	swait.ge @!p0 [sflag:s8], $0x0  }
0x24: {  	s3 =	sadd.s32 $0x88, s3;
	s6 =	simm.s32 @!p1 $0x1082;
	[sflag:s4] =	ssyncset.s32 $0xFFFFF086  }
0x25: {  	[simem:s6], [sflag:s4] =	dma.local [hbm:s3], $0xF7A  }
0x26: {  	[smem:$0x3F9F] =	sst s1;
	(tag) =	ssettag s2;
	_ =	strace s9  }
0x27: {  	s1 =	sld [smem:$0x3FAF]  }
0x28: {  	s2 =	sld [smem:$0x3FB0]  }
0x29: {  	s4 =	sld [smem:$0x3FB2]  }
0x2a: {  	p0 =	seq.s32 s5, $0x0;
	s5 =	sld [smem:$0x3FB3]  }
0x2b: {  	s6 =	sld [smem:$0x3FB4]  }
0x2c: {  	s7 =	sld [smem:$0x3FB5]  }
0x2d: {  	s3 =	simm.s32 $0x108;
	s8 =	sld [smem:$0x3FB6]  }
0x2e: {  	s3 =	simm.s32 @!p0 $0x1082;
	s9 =	sld [smem:$0x3FB7]  }
0x2f: {  	lr =	sadd.s32 s0, s3;
	s0 =	sld [smem:$0x3FAE]  }
0x30: {  	s3 =	sld [smem:$0x3FB1]  }
0x31: {  	[smem:$0x3FBA] =	sst s10  }
0x32: {  	s10 =	sld [smem:$0x3FB8];
	_ =	sdelay $0x3  }
0x33: {  	p0 =	seq.s32 s10, $0x1;
	s10 =	sld [smem:$0x3FBA];
	_ =	sdelay $0x3  }
0x34: {  	[smem:$0x3FBA] =	sst s10  }
0x35: {  	s10 =	sld [smem:$0x3FB9];
	_ =	sdelay $0x3  }
0x36: {  	p1 =	seq.s32 s10, $0x1;
	s10 =	sld [smem:$0x3FBA];
	_ =	sdelay $0x3  }
0x37: {  	[smem:$0x3FBA] =	sst s10  }
0x38: {  	s10 =	sld [smem:$0x3FBB]  }
0x39: {  	_ = 	snop;
	(pc) =	sbr.ind lr, $3  }
0x3a: {  	_ = 	snop  }
0x3b: {  	_ = 	snop  }
0x3c: {  	p2 =	seq.s32 s10, $0x1;
	s10 =	sld [smem:$0x3FBA]  }
0x3d: {  	_ =	shalt  }
0x3e: {  	_ =	shalt  }
0x3f: {  	_ =	shalt  }
0x40: {  	_ =	shalt  }
0x41: {  	_ =	shalt  }
0x42: {  	_ =	shalt  }
0x43: {  	_ =	shalt  }
0x44: {  	_ =	shalt  }
0x45: {  	_ =	shalt  }
0x46: {  	_ =	shalt  }
0x47: {  	_ =	shalt  }
0x48: {  	_ =	shalt  }
0x49: {  	_ =	shalt  }
0x4a: {  	_ =	shalt  }
0x4b: {  	_ =	shalt  }
0x4c: {  	_ =	shalt  }
0x4d: {  	_ =	shalt  }
0x4e: {  	_ =	shalt  }
0x4f: {  	_ =	shalt  }
0x50: {  	_ =	shalt  }
0x51: {  	_ =	shalt  }
0x52: {  	_ =	shalt  }
0x53: {  	_ =	shalt  }
0x54: {  	_ =	shalt  }
0x55: {  	_ =	shalt  }
0x56: {  	_ =	shalt  }
0x57: {  	_ =	shalt  }
0x58: {  	_ =	shalt  }
0x59: {  	_ =	shalt  }
0x5a: {  	_ =	shalt  }
0x5b: {  	_ =	shalt  }
0x5c: {  	_ =	shalt  }
0x5d: {  	_ =	shalt  }
0x5e: {  	_ =	shalt  }
0x5f: {  	_ =	shalt  }
0x60: {  	_ =	shalt  }
0x61: {  	_ =	shalt  }
0x62: {  	_ =	shalt  }
0x63: {  	_ =	shalt  }
0x64: {  	_ =	shalt  }
0x65: {  	_ =	shalt  }
0x66: {  	_ =	shalt  }
0x67: {  	_ =	shalt  }
0x68: {  	_ =	shalt  }
0x69: {  	_ =	shalt  }
0x6a: {  	_ =	shalt  }
0x6b: {  	_ =	shalt  }
0x6c: {  	_ =	shalt  }
0x6d: {  	_ =	shalt  }
0x6e: {  	_ =	shalt  }
0x6f: {  	_ =	shalt  }
0x70: {  	_ =	shalt  }
0x71: {  	_ =	shalt  }
0x72: {  	_ =	shalt  }
0x73: {  	_ =	shalt  }
0x74: {  	_ =	shalt  }
0x75: {  	_ =	shalt  }
0x76: {  	_ =	shalt  }
0x77: {  	_ =	shalt  }
0x78: {  	_ =	shalt  }
0x79: {  	_ =	shalt  }
0x7a: {  	_ =	shalt  }
0x7b: {  	_ =	shalt  }
0x7c: {  	_ =	shalt  }
0x7d: {  	_ =	shalt  }
0x7e: {  	_ =	shalt  }
0x7f: {  	_ =	shalt  }
0x80: {  	_ =	shalt  }
0x81: {  	_ =	shalt  }
0x82: {  	_ =	shalt  }
0x83: {  	_ =	shalt  }
0x84: {  	_ =	shalt  }
0x85: {  	_ =	shalt  }
0x86: {  	_ =	shalt  }
0x87: {  	_ =	shalt  }
.Lfunc_end0:
.L_simem_size_0:
called_computation_lowered:
.L_overlay_start_0:
0x88: {  	s2 =	sld [smem:$0x3FD9]  }
0x89: {  	s3 =	sld [smem:$0x3FFE];
	_ =	sdelay $0x1  }
0x8a: {  	s1 =	srdreg.scid  }
0x8b: {  	s0 =	sand.u32 $0x1, s1  }
0x8c: {  	s17 =	sshll.u32 s0, $0xA;
	s2 =	sadd.s32 s3, s2  }
0x8d: {  	s2 =	sadd.s32 s2, s17  }
0x8e: {  	[smem:$0x3FC6] =	sst s2  }
0x8f: {  	_ = 	snop  }
0x90: {  	s2 =	sld [smem:$0x3FD0];
	(tm) =	ssettm $0x1  }
0x91: {  	s18 =	sld [smem:$0x3FFB];
	_ =	sdelay $0x3  }
0x92: {  	_ =	strace s18  }
0x93: {  	s3 =	sld [smem:$0x3FFC];
	_ =	sdelay $0x3  }
0x94: {  	_ =	strace s3  }
0x95: {  	s3 =	sld [smem:$0x3FFD];
	_ =	sdelay $0x3  }
0x96: {  	_ =	strace s3  }
0x97: {  	_ =	strace $0x8FFFFFFF  }
0x98: {  	s19 =	sld [smem:$0x3FDB];
	_ =	sdelay $0x1  }
0x99: {  	s4 =	simm.s32 $_scs_section_size  }
0x9a: {  	s5 =	simm.s32 $_size__tile_overlayer_lowered;
	s6 =	simm.s32 $_tile_overlayer_lowered  }
0x9b: {  	s22 =	simm.s32 $0x1BFF;
	s21 =	sshll.u32 s6, $0x1;
	s3 =	sadd.s32 s4, s19  }
0x9c: {  	s7 =	simm.s32 $0x0;
	s20 =	sshll.u32 s5, $0x1;
	s5 =	sadd.s32 s21, s3  }
0x9d: {  	[timem:s7], [sflag:s22] =	dma.local [hbm:s5], s20  }
0x9e: {  	_ =	swait.ge [sflag:s22], s20  }
0x9f: {  	s4 =	ssub.s32 $0x0, s20;
	[sflag:s22] =	ssyncset.done $0x0  }
0xa0: {  	[sflag:s22] =	ssyncadd.s32 s4;
	_ =	sdelay $0x1  }
0xa1: {  	s23 =	simm.s32 $0x1B8B  }
0xa2: {  	_ =	swait.ge [sflag:s23], $0x1  }
0xa3: {  	[sflag:s23] =	ssyncset.done $0x0  }
0xa4: {  	s25 =	simm.s32 $0x1B8E;
	s24 =	sld [smem:$0x3FFE];
	[sflag:s23] =	ssyncadd.s32 $0xFFFFFFFF  }
0xa5: {  	s26 =	simm.s32 $execute0_lowered;
	[smem:$0x3FD2] =	sst s25  }
0xa6: {  	s5 =	sshll.u32 s26, $0x1;
	_ =	strace $0x80000046;
	[dreg:$0x1] =	wrdreg $0xFFFFFFFF  }
0xa7: {  	s28 =	simm.s32 $_size_execute0_lowered;
	s3 =	sadd.s32 s3, s5;
	[dreg:$0x0] =	wrdreg $0x0  }
0xa8: {  	s5 =	sshll.u32 s28, $0x1;
	[dreg:$0x2] =	wrdreg s3  }
0xa9: {  	[dreg:$0x3] =	wrdreg s5  }
0xaa: {  	[dreg:$0x4] =	wrdreg $0xC0  }
0xab: {  	_ =	task [dreg:s7], $0x5FFFF  }
0xac: {  	[dreg:$0x1] =	wrdreg $0xFFFFFFFF  }
0xad: {  	[dreg:$0x0] =	wrdreg $0x60  }
0xae: {  	[dreg:$0x2] =	wrdreg s24  }
0xaf: {  	[dreg:$0x3] =	wrdreg s2  }
0xb0: {  	[dreg:$0x4] =	wrdreg $0x9  }
0xb1: {  	_ =	task.clear_ibuf [dreg:s7], $0x5FFFF;
	_ =	strace $0x90000046  }
0xb2: {  	s29 =	simm.s32 $0x9;
	_ =	strace $0x80000048  }
0xb3: {  	_ =	swait.ge [sflag:s29], $0x1  }
0xb4: {  	[sflag:s29] =	ssyncadd.s32 $0xFFFFFFFF  }
0xb5: {  	_ =	strace $0x90000048  }
0xb6: {  	_ =	sfence  }
0xb7: {  	s30 =	sld [smem:$0x0];
	_ =	sdelay $0x2  }
0xb8: {  	s31 =	sshll.u32 s1, $0xD;
	s1 =	sshrl.u32 s1, $0x2  }
0xb9: {  	s3 =	sand.u32 $0x4000, s31;
	s1 =	sadd.s32 s1, s30  }
0xba: {  	s0 =	sor.u32 s3, s0;
	s1 =	sshll.u32 s1, $0x11  }
0xbb: {  	s0 =	sor.u32 s1, s0  }
0xbc: {  	s0 =	sadd.s32 $0x8F2B, s0  }
0xbd: {  	[sflag:s0] =	ssyncadd.remote.s32 $0x1  }
0xbe: {  	_ =	sfence.sel $0xFFFF  }
0xbf: {  	[dreg:$0x0] =	wrdreg $0xFFFFFFFF;
	(pc) =	sbr.abs _section_cstart, $3  }
0xc0: {  	[dreg:$0x1] =	wrdreg $0xFFFFFFFF  }
0xc1: {  	_ =	task.clear_ibuf [dreg:s7], $0x2FFFF;
	_ =	strace $0x9FFFFFFF  }
0xc2: {  	(tm) =	ssettm $0x7FFFFFFF  }
0xc3: {  	_ =	shalt  }
tec
execute0_lowered:
.L_overlay_start_1:
0x0: {  	(tag) =	ssettag $0x1  }
0x1: {  	s1 =	srdreg.scid;
	s0 =	stileid.u32  }
0x2: {  	s12 =	sand.u32 $0x1, s1;
	s28 =	sshll.u32 s0, $0x1  }
0x3: {  	s5 =	rddreg [dreg:$0x0];
	s8 =	sor.u32 s12, s28  }
0x4: {  	s13 =	rddreg [dreg:$0x1];
	s3 =	smul.u32 $0x24, s8  }
0x5: {  	s2 =	simm.s32 $0x0;
	s1 =	rddreg [dreg:$0x2]  }
0x6: {  	[smem:$0x7FF] =	sst s2;
	s3 =	sadd.s32 s3, s5  }
0x7: {  	_ =	strace $0x80000047;
	s4 =	sadd.s32 $0x2800, s3;
	s3 =	simm.s32 $0x2  }
0x8: {  	[tilespmem:s2], [sflag:$0x2] =	stream.linear.gather [hbm4b:s4+s2], $0x120, $0x38;
	[tilespmem:$0x4920] =	vst v63  }
0x9: {  	s6 =	simm.s32 $0x60;
	s7 =	simm.s32 $0x120;
	_ =	swait.ge [sflag:s3], $0x120  }
0xa: {  	s9 =	simm.s32 $0x1;
	p0 =	seq.s32 s12, $0x1;
	[sflag:s3] =	ssyncset.done $0x0  }
0xb: {  	p1 =	seq.s32 s8, $0x0;
	s5 =	sadd.s32 $0x800, s5;
	[sflag:s3] =	ssyncadd.s32 $0xFFFFFEE0  }
0xc: {  	[tilespmem:s7], [sflag:$0x1] =	stream.indirect.gather [hbm4b:s5+s6], $0x40, s2, s6, $0xb8;
	[tilespmem:$0x4920] =	vst v63  }
0xd: {  	s10 =	simm.s32 $0xC0;
	s8 =	simm.s32 $0x1920;
	p1 =	por !p1, !p0  }
0xe: {  	[tilespmem:s8], [sflag:$0x1] =	stream.indirect.gather [hbm4b:s5+s6], $0x40, s6, s6, $0xb8;
	[tilespmem:$0x4920] =	vst v63  }
0xf: {  	s11 =	simm.s32 $0x3120;
	s14 =	simm.s32 $0x1;
	p1 =	por !p1, !p1  }
0x10: {  	[tilespmem:s11], [sflag:$0x1] =	stream.indirect.gather [hbm4b:s5+s6], $0x40, s10, s6, $0xb8;
	[tilespmem:$0x4920] =	vst v63  }
0x11: {  	s14 =	simm.s32 @!p1 $0x0;
	_ =	swait.ge [sflag:s9], $0x1800  }
0x12: {  	s15 =	simm.s32 $0x4800;
	s14 =	ssub.s32 s0, s14;
	[sflag:s9] =	ssyncset.done $0x0  }
0x13: {  	s12 =	ssub.s32 $0x2, s12;
	s14 =	smul.u32 $0x9000, s14;
	[sflag:s9] =	ssyncadd.s32 $0xFFFFE800  }
0x14: {  	s15 =	simm.s32 @!p0 $0x0;
	s29 =	sshrl.u32 s12, $0x1;
	_ =	swait.ge [sflag:s9], $0x1800  }
0x15: {  	s14 =	sadd.s32 s15, s14;
	s15 =	ssub.s32 s12, s29;
	[sflag:s9] =	ssyncset.done $0x0  }
0x16: {  	s31 =	smax.u32 s15, $0x1;
	[sflag:s9] =	ssyncadd.s32 $0xFFFFE800  }
0x17: {  	p0 =	sne.s32 s31, $0x1;
	_ =	swait.ge [sflag:s9], $0x1800  }
.Ltmp0:
0x18: {  	s30 =	sshrl.u32 s14, $0x3;
	[sflag:s9] =	ssyncset.done $0x0;
	(pc) =	sbr.rel @!p0 .LBB2_2-.Ltmp0, $4  }
0x19: {  	s12 =	sadd.s32 s13, s30;
	[sflag:s9] =	ssyncadd.s32 $0xFFFFE800  }
0x1a: {  	[hbm4b:s12+s2] =	stream.linear.scatter [tilespmem:s7], [sflag:$0x2], $0x4800, $0x38;
	[tilespmem:$0x4920] =	vst v63  }
0x1b: {  	_ =	swait.ge [sflag:s3], $0x4800  }
0x1c: {  	s13 =	sadd.s32 $0xFFFFFFFF, s31;
	[sflag:s3] =	ssyncset.done $0x0  }
.LBB2_1:
0x1d: {  	p0 =	sne.s32 s13, $0x1;
	s13 =	sadd.s32 $0xFFFFFFFF, s13;
	[sflag:s3] =	ssyncadd.s32 $0xFFFFB800  }
0x1e: {  	[tilespmem:s2], [sflag:$0x2] =	stream.linear.gather [hbm4b:s4+s2], $0x120, $0x38;
	[tilespmem:$0x4920] =	vst v63  }
0x1f: {  	_ =	swait.ge [sflag:s3], $0x120  }
0x20: {  	[sflag:s3] =	ssyncset.done $0x0  }
0x21: {  	[sflag:s3] =	ssyncadd.s32 $0xFFFFFEE0  }
0x22: {  	[tilespmem:s7], [sflag:$0x1] =	stream.indirect.gather [hbm4b:s5+s6], $0x40, s2, s6, $0xb8;
	[tilespmem:$0x4920] =	vst v63  }
0x23: {  	_ = 	snop  }
0x24: {  	[tilespmem:s8], [sflag:$0x1] =	stream.indirect.gather [hbm4b:s5+s6], $0x40, s6, s6, $0xb8;
	[tilespmem:$0x4920] =	vst v63  }
0x25: {  	_ = 	snop  }
0x26: {  	[tilespmem:s11], [sflag:$0x1] =	stream.indirect.gather [hbm4b:s5+s6], $0x40, s10, s6, $0xb8;
	[tilespmem:$0x4920] =	vst v63  }
0x27: {  	_ =	swait.ge [sflag:s9], $0x1800  }
0x28: {  	[sflag:s9] =	ssyncset.done $0x0  }
0x29: {  	[sflag:s9] =	ssyncadd.s32 $0xFFFFE800  }
0x2a: {  	_ =	swait.ge [sflag:s9], $0x1800  }
0x2b: {  	[sflag:s9] =	ssyncset.done $0x0  }
0x2c: {  	[sflag:s9] =	ssyncadd.s32 $0xFFFFE800  }
0x2d: {  	_ =	swait.ge [sflag:s9], $0x1800  }
.Ltmp1:
0x2e: {  	[sflag:s9] =	ssyncset.done $0x0;
	(pc) =	sbr.rel @p0 .LBB2_1-.Ltmp1, $4  }
0x2f: {  	[sflag:s9] =	ssyncadd.s32 $0xFFFFE800  }
0x30: {  	[hbm4b:s12+s2] =	stream.linear.scatter [tilespmem:s7], [sflag:$0x2], $0x4800, $0x38;
	[tilespmem:$0x4920] =	vst v63  }
0x31: {  	_ =	swait.ge [sflag:s3], $0x4800  }
0x32: {  	[sflag:s3] =	ssyncset.done $0x0  }
.LBB2_2:
0x33: {  	[sflag:s3] =	ssyncadd.s32 $0xFFFFB800  }
0x34: {  	_ =	sfence.sel $0x180000  }
0x35: {  	[bflag:$0x0] =	sbarrier.arrive $0xFFFF  }
0x36: {  	p0 =	sne.s32 s0, $0x0;
	_ =	strace $0x90000047  }
0x37: {  	s0 =	sadd.s32 @!p0 $0x100000, s1;
	[bflag:$0x2] =	sbarrier.arrive $0xFFFF  }
0x38: {  	[sflag:s0] =	ssyncadd.tile.s32 @!p0 $0x1;
	_ =	shalt  }
.Lfunc_end2:
_tile_overlayer_lowered:
.L_overlay_start_2:
0x39: {  	(tag) =	ssettag $0x2  }
0x3a: {  	s0 =	rddreg [dreg:$0x0];
	s2 =	stileid.u32  }
0x3b: {  	s1 =	rddreg [dreg:$0x1];
	p0 =	sne.s32 s2, $0x0  }
0x3c: {  	s3 =	rddreg [dreg:$0x2];
	[bflag:$0x3] =	sbarrier.arrive $0xFFFF;
	s2 =	simm.s32 @!p0 $0x1C02  }
0x3d: {  	[timem:s3], [sflag:s2] =	dma.local @!p0 [hbm:s0], s1  }
0x3e: {  	s0 =	simm.s32 @!p0 $0x2  }
0x3f: {  	_ =	swait.ge @!p0 [sflag:s0], s1  }
0x40: {  	s1 =	ssub.s32 @!p0 $0x0, s1;
	[sflag:s0] =	ssyncset.done @!p0 $0x0  }
0x41: {  	[sflag:s0] =	ssyncadd.s32 @!p0 s1  }
0x42: {  	[bflag:$0x3] =	sbarrier.arrive $0xFFFF  }
0x43: {  	_ =	shalt  }

</sc_bundles>
